<compile_context>
chip_gen: v7x
topology: tpu7x:2x2x1
jax: 0.10.2.dev20260603
libtpu: 0.0.44.dev20260713+nightly
codegen_flags: <defaults>
</compile_context>

<pallas_src>
import functools

import jax
import jax.numpy as jnp
from jax import lax
from jax.experimental import pallas as pl
from jax.experimental.pallas import tpu as pltpu
from jax.experimental.pallas import tpu_sc as plsc


def _router_body(x_ref, w_ref, o_ref):
    lt = lax.dot_general(
        w_ref[...], x_ref[...],
        dimension_numbers=(((0,), (1,)), ((), ())),
        preferred_element_type=jnp.float32,
    )
    E, T = lt.shape
    o_ref[...] = jnp.transpose(lt.reshape(E, T // 16, 16), (1, 0, 2))


def _router_logits_c(x, router_weight):
    T, H = x.shape
    E = router_weight.shape[1]
    return pl.pallas_call(
        _router_body,
        out_shape=jax.ShapeDtypeStruct((T // 16, E, 16), jnp.float32),
    )(x, router_weight)


def _make_route_sc(E, T):
    info = plsc.get_sparse_core_info()
    L = info.num_lanes
    n_chunks = T // L
    mesh = plsc.VectorSubcoreMesh(core_axis_name="c", subcore_axis_name="s")

    @functools.partial(
        pl.kernel,
        mesh=mesh,
        out_type=jax.ShapeDtypeStruct((n_chunks, E, L), jnp.float32),
        scratch_types=[
            pltpu.VMEM((E, L), jnp.float32),
            pltpu.VMEM((E, L), jnp.float32),
        ],
    )
    def route(logits_hbm, affin_hbm, lt_v, at_v):
        wid = lax.axis_index("s") * info.num_cores + lax.axis_index("c")

        @pl.when(wid < n_chunks)
        def _():
            pltpu.sync_copy(logits_hbm.at[wid], lt_v)
            lvec = [lt_v[e, :] for e in range(E)]
            m = lvec[0]
            for e in range(1, E):
                m = jnp.maximum(m, lvec[e])
            ex = [jnp.exp(lvec[e] - m) for e in range(E)]
            s = ex[0]
            for e in range(1, E):
                s = s + ex[e]
            p = [ex[e] / s for e in range(E)]
            m1 = p[0]
            for e in range(1, E):
                m1 = jnp.maximum(m1, p[e])
            pm = [jnp.where(p[e] == m1, -1.0, p[e]) for e in range(E)]
            m2 = pm[0]
            for e in range(1, E):
                m2 = jnp.maximum(m2, pm[e])
            for e in range(E):
                at_v[e, :] = jnp.where(p[e] >= m2, p[e], 0.0)
            pltpu.sync_copy(at_v, affin_hbm.at[wid])

    return route


def _mlp_body(x_ref, g_ref, u_ref, d_ref, a_ref, o_ref, *, n_e):
    e = pl.program_id(0)
    f = pl.program_id(1)

    @pl.when((e == 0) & (f == 0))
    def _():
        o_ref[...] = jnp.zeros_like(o_ref)

    x = x_ref[...]
    gate = jnp.dot(x, g_ref[0], preferred_element_type=jnp.float32)
    up = jnp.dot(x, u_ref[0], preferred_element_type=jnp.float32)
    act = gate * jax.nn.sigmoid(gate) * up

    T = x.shape[0]
    lane = lax.broadcasted_iota(jnp.int32, (T, n_e), 1)
    aff = jnp.sum(jnp.where(lane == e, a_ref[...], 0.0), axis=1, keepdims=True)
    act = act * aff

    o_ref[...] += jnp.dot(act, d_ref[0], preferred_element_type=jnp.float32)


def _expert_mlp(x, gate_up_proj, down_proj, affin, block_f):
    T, H = x.shape
    E = down_proj.shape[0]
    F = down_proj.shape[1]
    nf = F // block_f
    return pl.pallas_call(
        functools.partial(_mlp_body, n_e=E),
        grid=(E, nf),
        in_specs=[
            pl.BlockSpec((T, H), lambda e, f: (0, 0)),
            pl.BlockSpec((1, H, block_f), lambda e, f, nf=nf: (e, 0, f)),
            pl.BlockSpec((1, H, block_f), lambda e, f, nf=nf: (e, 0, f + nf)),
            pl.BlockSpec((1, block_f, H), lambda e, f: (e, f, 0)),
            pl.BlockSpec((T, E), lambda e, f: (0, 0)),
        ],
        out_specs=pl.BlockSpec((T, H), lambda e, f: (0, 0)),
        out_shape=jax.ShapeDtypeStruct((T, H), jnp.float32),
        compiler_params=pltpu.CompilerParams(
            dimension_semantics=("arbitrary", "arbitrary"),
        ),
    )(x, gate_up_proj, gate_up_proj, down_proj, affin)


def kernel(hidden_states, router_weight, gate_up_proj, down_proj):
    B, S, H = hidden_states.shape
    E = router_weight.shape[1]
    F = down_proj.shape[1]
    T = B * S

    x = hidden_states.reshape(T, H)
    logits_c = _router_logits_c(x, router_weight)
    affin_c = _make_route_sc(E, T)(logits_c)
    affin = jnp.transpose(affin_c, (0, 2, 1)).reshape(T, E)

    block_f = 512 if F % 512 == 0 else F
    out = _expert_mlp(x, gate_up_proj, down_proj, affin, block_f)
    return out.reshape(B, S, H)

# --- scband reference (transcript-rebuilt; emitter-appended) ---
"""Pipeline reference for scband-mo-efused-tkg-22995254902978 (READ-ONLY COPY).

The authoritative reference and input builder live on the scoring server;
editing this copy changes nothing except your own understanding.
"""

import jax, jax.numpy as jnp
import numpy as np

B, S, H = 32, 8, 2048
E, K, F = 8, 2, 8192


def setup_inputs(seed: int = 0) -> dict:
    key = jax.random.key(seed)
    k1, k2, k3, k4 = jax.random.split(key, 4)
    hidden_states = jax.random.normal(k1, (B, S, H), dtype=jnp.float32)
    router_weight = jax.random.normal(k2, (H, E), dtype=jnp.float32) * 0.02
    gate_up_proj = jax.random.normal(k3, (E, H, 2 * F), dtype=jnp.float32) * 0.02
    down_proj = jax.random.normal(k4, (E, F, H), dtype=jnp.float32) * 0.02
    return {
        "hidden_states": hidden_states,
        "router_weight": router_weight,
        "gate_up_proj": gate_up_proj,
        "down_proj": down_proj,
    }


def reference(hidden_states, router_weight, gate_up_proj, down_proj):
    # MoEFusedTKG forward, all-experts token-gen path (perc_experts_loaded = T*K/E >= threshold).
    Bb, Ss, Hh = hidden_states.shape
    x = hidden_states.reshape(-1, Hh)  # [T, H] flattened tokens
    T = x.shape[0]
    # --- router_topk kernel: logits -> softmax -> top-k affinities ---
    router_logits = x.astype(jnp.float32) @ router_weight  # [T, E]
    probs = jax.nn.softmax(router_logits, axis=-1)
    topk_vals, topk_idx = jax.lax.top_k(probs, K)  # [T, K]
    # dense expert-affinity matrix, zero for non-selected experts (NO normalize_top_k_affinities)
    affin = jnp.zeros((T, E), dtype=probs.dtype)
    affin = affin.at[jnp.arange(T)[:, None], topk_idx].set(topk_vals)
    # --- moe_token_gen_all_experts kernel: GLU MLP for every expert, weighted combine ---
    gu = jnp.einsum('th,ehf->etf', x, gate_up_proj)  # [E, T, 2F]
    gate, up = jnp.split(gu, 2, axis=-1)
    act = jax.nn.silu(gate) * up  # [E, T, F]
    expert_out = jnp.einsum('etf,efh->eth', act, down_proj)  # [E, T, H]
    out = jnp.einsum('eth,te->th', expert_out, affin)  # combine by affinity
    return out.reshape(Bb, Ss, Hh)


if False:  # reference __main__ guard neutralized (emitter)
    inp = setup_inputs()
    out = reference(**inp)
    print(out.shape, out.dtype)

if __name__ == "__main__":
    import jax
    _d = setup_inputs()
    print(jax.jit(kernel)(*tuple(_d.values())))

</pallas_src>

<mosaic_0001>
#map = affine_map<(d0, d1) -> (0, 0, 0)>
module attributes {stable_mosaic.version = 14 : i64} {
  func.func @route(%arg0: i32, %arg1: i32, %arg2: memref<16x8x16xf32, #tpu.memory_space<hbm>>, %arg3: memref<16x8x16xf32, #tpu.memory_space<hbm>>, %arg4: memref<8x16xf32, #tpu.memory_space<vmem>>, %arg5: memref<8x16xf32, #tpu.memory_space<vmem>>) attributes {dimension_semantics = [#tpu.dimension_semantics<core_parallel>, #tpu.dimension_semantics<subcore_parallel>], iteration_bounds = array<i64: 2, 16>, scalar_prefetch = 0 : i64, scratch_operands = 2 : i64, tpu.core_type = #tpu.core_type<sc_vector_subcore>, window_params = [{transform_indices = #map}, {transform_indices = #map}]} {
    %mul3A = arith.constant 2 : i32
    %mul3A_0 = arith.muli %arg1, %mul3A : i32
    %add3A = arith.addi %mul3A_0, %arg0 : i32
    %lt3A = arith.constant 16 : i32
    %lt3A_1 = arith.cmpi slt, %add3A, %lt3A : i32
    %convert_element_type3A = arith.extui %lt3A_1 : i1 to i32
    %cond3A = arith.constant 0 : i32
    %cond3A_2 = arith.cmpi ne, %convert_element_type3A, %cond3A : i32
    scf.if %cond3A_2 {
      "tpu.region"() ({
        %run_scoped3A = tpu.sem_alloc : memref<!tpu.dma_semaphore, #tpu.memory_space<semaphore_mem>>
        %dma_start3A = arith.constant 0 : i32
        %dma_start3A_196 = arith.constant 0 : i32
        %dma_start3A_197 = tpu.memref_slice %arg2[%add3A, %dma_start3A, %dma_start3A_196] : memref<16x8x16xf32, #tpu.memory_space<hbm>> -> memref<1x8x16xf32, #tpu.memory_space<hbm>>
        %dma_start3A_198 = tpu.memref_squeeze %dma_start3A_197 : memref<1x8x16xf32, #tpu.memory_space<hbm>> -> memref<8x16xf32, #tpu.memory_space<hbm>>
        %dma_start3A_199 = arith.constant 0 : i32
        %dma_start3A_200 = arith.constant 0 : i32
        %dma_start3A_201 = tpu.memref_slice %arg2[%add3A, %dma_start3A_199, %dma_start3A_200] : memref<16x8x16xf32, #tpu.memory_space<hbm>> -> memref<1x8x16xf32, #tpu.memory_space<hbm>>
        %dma_start3A_202 = tpu.memref_squeeze %dma_start3A_201 : memref<1x8x16xf32, #tpu.memory_space<hbm>> -> memref<8x16xf32, #tpu.memory_space<hbm>>
        tpu.enqueue_dma source(%dma_start3A_202 : memref<8x16xf32, #tpu.memory_space<hbm>>) target(%arg4 : memref<8x16xf32, #tpu.memory_space<vmem>>) target_semaphore(%run_scoped3A : memref<!tpu.dma_semaphore, #tpu.memory_space<semaphore_mem>>)
        %dma_wait3A = arith.constant 0 : i32
        %dma_wait3A_203 = arith.constant 0 : i32
        %dma_wait3A_204 = tpu.memref_slice %arg2[%add3A, %dma_wait3A, %dma_wait3A_203] : memref<16x8x16xf32, #tpu.memory_space<hbm>> -> memref<1x8x16xf32, #tpu.memory_space<hbm>>
        %dma_wait3A_205 = tpu.memref_squeeze %dma_wait3A_204 : memref<1x8x16xf32, #tpu.memory_space<hbm>> -> memref<8x16xf32, #tpu.memory_space<hbm>>
        %dma_wait3A_206 = arith.constant 0 : i32
        %dma_wait3A_207 = arith.constant 0 : i32
        %dma_wait3A_208 = tpu.memref_slice %arg2[%add3A, %dma_wait3A_206, %dma_wait3A_207] : memref<16x8x16xf32, #tpu.memory_space<hbm>> -> memref<1x8x16xf32, #tpu.memory_space<hbm>>
        %dma_wait3A_209 = tpu.memref_squeeze %dma_wait3A_208 : memref<1x8x16xf32, #tpu.memory_space<hbm>> -> memref<8x16xf32, #tpu.memory_space<hbm>>
        tpu.wait_dma2 semaphore(%run_scoped3A : memref<!tpu.dma_semaphore, #tpu.memory_space<semaphore_mem>>) src(%dma_wait3A_209 : memref<8x16xf32, #tpu.memory_space<hbm>>) dst(%arg4 : memref<8x16xf32, #tpu.memory_space<vmem>>)
        tpu.yield
      }) : () -> ()
      %get3A = arith.constant 0 : i32
      %get3A_3 = arith.index_cast %get3A : i32 to index
      %get3A_4 = arith.constant 0 : index
      %get3A_5 = tpu.vector_load %arg4[%get3A_3, %get3A_4] {strides = array<i32>} : memref<8x16xf32, #tpu.memory_space<vmem>>, vector<1x16xf32>,
      %get3A_6 = vector.shape_cast %get3A_5 : vector<1x16xf32> to vector<16xf32>
      %get3A_7 = arith.constant 1 : i32
      %get3A_8 = arith.index_cast %get3A_7 : i32 to index
      %get3A_9 = arith.constant 0 : index
      %get3A_10 = tpu.vector_load %arg4[%get3A_8, %get3A_9] {strides = array<i32>} : memref<8x16xf32, #tpu.memory_space<vmem>>, vector<1x16xf32>,
      %get3A_11 = vector.shape_cast %get3A_10 : vector<1x16xf32> to vector<16xf32>
      %get3A_12 = arith.constant 2 : i32
      %get3A_13 = arith.index_cast %get3A_12 : i32 to index
      %get3A_14 = arith.constant 0 : index
      %get3A_15 = tpu.vector_load %arg4[%get3A_13, %get3A_14] {strides = array<i32>} : memref<8x16xf32, #tpu.memory_space<vmem>>, vector<1x16xf32>,
      %get3A_16 = vector.shape_cast %get3A_15 : vector<1x16xf32> to vector<16xf32>
      %get3A_17 = arith.constant 3 : i32
      %get3A_18 = arith.index_cast %get3A_17 : i32 to index
      %get3A_19 = arith.constant 0 : index
      %get3A_20 = tpu.vector_load %arg4[%get3A_18, %get3A_19] {strides = array<i32>} : memref<8x16xf32, #tpu.memory_space<vmem>>, vector<1x16xf32>,
      %get3A_21 = vector.shape_cast %get3A_20 : vector<1x16xf32> to vector<16xf32>
      %get3A_22 = arith.constant 4 : i32
      %get3A_23 = arith.index_cast %get3A_22 : i32 to index
      %get3A_24 = arith.constant 0 : index
      %get3A_25 = tpu.vector_load %arg4[%get3A_23, %get3A_24] {strides = array<i32>} : memref<8x16xf32, #tpu.memory_space<vmem>>, vector<1x16xf32>,
      %get3A_26 = vector.shape_cast %get3A_25 : vector<1x16xf32> to vector<16xf32>
      %get3A_27 = arith.constant 5 : i32
      %get3A_28 = arith.index_cast %get3A_27 : i32 to index
      %get3A_29 = arith.constant 0 : index
      %get3A_30 = tpu.vector_load %arg4[%get3A_28, %get3A_29] {strides = array<i32>} : memref<8x16xf32, #tpu.memory_space<vmem>>, vector<1x16xf32>,
      %get3A_31 = vector.shape_cast %get3A_30 : vector<1x16xf32> to vector<16xf32>
      %get3A_32 = arith.constant 6 : i32
      %get3A_33 = arith.index_cast %get3A_32 : i32 to index
      %get3A_34 = arith.constant 0 : index
      %get3A_35 = tpu.vector_load %arg4[%get3A_33, %get3A_34] {strides = array<i32>} : memref<8x16xf32, #tpu.memory_space<vmem>>, vector<1x16xf32>,
      %get3A_36 = vector.shape_cast %get3A_35 : vector<1x16xf32> to vector<16xf32>
      %get3A_37 = arith.constant 7 : i32
      %get3A_38 = arith.index_cast %get3A_37 : i32 to index
      %get3A_39 = arith.constant 0 : index
      %get3A_40 = tpu.vector_load %arg4[%get3A_38, %get3A_39] {strides = array<i32>} : memref<8x16xf32, #tpu.memory_space<vmem>>, vector<1x16xf32>,
      %get3A_41 = vector.shape_cast %get3A_40 : vector<1x16xf32> to vector<16xf32>
      %max3A = arith.maximumf %get3A_6, %get3A_11 : vector<16xf32>
      %max3A_42 = arith.maximumf %max3A, %get3A_16 : vector<16xf32>
      %max3A_43 = arith.maximumf %max3A_42, %get3A_21 : vector<16xf32>
      %max3A_44 = arith.maximumf %max3A_43, %get3A_26 : vector<16xf32>
      %max3A_45 = arith.maximumf %max3A_44, %get3A_31 : vector<16xf32>
      %max3A_46 = arith.maximumf %max3A_45, %get3A_36 : vector<16xf32>
      %max3A_47 = arith.maximumf %max3A_46, %get3A_41 : vector<16xf32>
      %sub3A = arith.subf %get3A_6, %max3A_47 : vector<16xf32>
      %exp3A = math.exp %sub3A : vector<16xf32>
      %sub3A_48 = arith.subf %get3A_11, %max3A_47 : vector<16xf32>
      %exp3A_49 = math.exp %sub3A_48 : vector<16xf32>
      %sub3A_50 = arith.subf %get3A_16, %max3A_47 : vector<16xf32>
      %exp3A_51 = math.exp %sub3A_50 : vector<16xf32>
      %sub3A_52 = arith.subf %get3A_21, %max3A_47 : vector<16xf32>
      %exp3A_53 = math.exp %sub3A_52 : vector<16xf32>
      %sub3A_54 = arith.subf %get3A_26, %max3A_47 : vector<16xf32>
      %exp3A_55 = math.exp %sub3A_54 : vector<16xf32>
      %sub3A_56 = arith.subf %get3A_31, %max3A_47 : vector<16xf32>
      %exp3A_57 = math.exp %sub3A_56 : vector<16xf32>
      %sub3A_58 = arith.subf %get3A_36, %max3A_47 : vector<16xf32>
      %exp3A_59 = math.exp %sub3A_58 : vector<16xf32>
      %sub3A_60 = arith.subf %get3A_41, %max3A_47 : vector<16xf32>
      %exp3A_61 = math.exp %sub3A_60 : vector<16xf32>
      %add3A_62 = arith.addf %exp3A, %exp3A_49 : vector<16xf32>
      %add3A_63 = arith.addf %add3A_62, %exp3A_51 : vector<16xf32>
      %add3A_64 = arith.addf %add3A_63, %exp3A_53 : vector<16xf32>
      %add3A_65 = arith.addf %add3A_64, %exp3A_55 : vector<16xf32>
      %add3A_66 = arith.addf %add3A_65, %exp3A_57 : vector<16xf32>
      %add3A_67 = arith.addf %add3A_66, %exp3A_59 : vector<16xf32>
      %add3A_68 = arith.addf %add3A_67, %exp3A_61 : vector<16xf32>
      %div3A = arith.divf %exp3A, %add3A_68 : vector<16xf32>
      %div3A_69 = arith.divf %exp3A_49, %add3A_68 : vector<16xf32>
      %div3A_70 = arith.divf %exp3A_51, %add3A_68 : vector<16xf32>
      %div3A_71 = arith.divf %exp3A_53, %add3A_68 : vector<16xf32>
      %div3A_72 = arith.divf %exp3A_55, %add3A_68 : vector<16xf32>
      %div3A_73 = arith.divf %exp3A_57, %add3A_68 : vector<16xf32>
      %div3A_74 = arith.divf %exp3A_59, %add3A_68 : vector<16xf32>
      %div3A_75 = arith.divf %exp3A_61, %add3A_68 : vector<16xf32>
      %max3A_76 = arith.maximumf %div3A, %div3A_69 : vector<16xf32>
      %max3A_77 = arith.maximumf %max3A_76, %div3A_70 : vector<16xf32>
      %max3A_78 = arith.maximumf %max3A_77, %div3A_71 : vector<16xf32>
      %max3A_79 = arith.maximumf %max3A_78, %div3A_72 : vector<16xf32>
      %max3A_80 = arith.maximumf %max3A_79, %div3A_73 : vector<16xf32>
      %max3A_81 = arith.maximumf %max3A_80, %div3A_74 : vector<16xf32>
      %max3A_82 = arith.maximumf %max3A_81, %div3A_75 : vector<16xf32>
      %eq3A = arith.cmpf oeq, %div3A, %max3A_82 : vector<16xf32>
      %jit3A = arith.constant -1.000000e+00 : f32
      %broadcast_in_dim3A = vector.broadcast %jit3A : f32 to vector<16xf32>
      %select_n3A = arith.select %eq3A, %broadcast_in_dim3A, %div3A : vector<16xi1>, vector<16xf32>
      %eq3A_83 = arith.cmpf oeq, %div3A_69, %max3A_82 : vector<16xf32>
      %jit3A_84 = arith.constant -1.000000e+00 : f32
      %broadcast_in_dim3A_85 = vector.broadcast %jit3A_84 : f32 to vector<16xf32>
      %select_n3A_86 = arith.select %eq3A_83, %broadcast_in_dim3A_85, %div3A_69 : vector<16xi1>, vector<16xf32>
      %eq3A_87 = arith.cmpf oeq, %div3A_70, %max3A_82 : vector<16xf32>
      %jit3A_88 = arith.constant -1.000000e+00 : f32
      %broadcast_in_dim3A_89 = vector.broadcast %jit3A_88 : f32 to vector<16xf32>
      %select_n3A_90 = arith.select %eq3A_87, %broadcast_in_dim3A_89, %div3A_70 : vector<16xi1>, vector<16xf32>
      %eq3A_91 = arith.cmpf oeq, %div3A_71, %max3A_82 : vector<16xf32>
      %jit3A_92 = arith.constant -1.000000e+00 : f32
      %broadcast_in_dim3A_93 = vector.broadcast %jit3A_92 : f32 to vector<16xf32>
      %select_n3A_94 = arith.select %eq3A_91, %broadcast_in_dim3A_93, %div3A_71 : vector<16xi1>, vector<16xf32>
      %eq3A_95 = arith.cmpf oeq, %div3A_72, %max3A_82 : vector<16xf32>
      %jit3A_96 = arith.constant -1.000000e+00 : f32
      %broadcast_in_dim3A_97 = vector.broadcast %jit3A_96 : f32 to vector<16xf32>
      %select_n3A_98 = arith.select %eq3A_95, %broadcast_in_dim3A_97, %div3A_72 : vector<16xi1>, vector<16xf32>
      %eq3A_99 = arith.cmpf oeq, %div3A_73, %max3A_82 : vector<16xf32>
      %jit3A_100 = arith.constant -1.000000e+00 : f32
      %broadcast_in_dim3A_101 = vector.broadcast %jit3A_100 : f32 to vector<16xf32>
      %select_n3A_102 = arith.select %eq3A_99, %broadcast_in_dim3A_101, %div3A_73 : vector<16xi1>, vector<16xf32>
      %eq3A_103 = arith.cmpf oeq, %div3A_74, %max3A_82 : vector<16xf32>
      %jit3A_104 = arith.constant -1.000000e+00 : f32
      %broadcast_in_dim3A_105 = vector.broadcast %jit3A_104 : f32 to vector<16xf32>
      %select_n3A_106 = arith.select %eq3A_103, %broadcast_in_dim3A_105, %div3A_74 : vector<16xi1>, vector<16xf32>
      %eq3A_107 = arith.cmpf oeq, %div3A_75, %max3A_82 : vector<16xf32>
      %jit3A_108 = arith.constant -1.000000e+00 : f32
      %broadcast_in_dim3A_109 = vector.broadcast %jit3A_108 : f32 to vector<16xf32>
      %select_n3A_110 = arith.select %eq3A_107, %broadcast_in_dim3A_109, %div3A_75 : vector<16xi1>, vector<16xf32>
      %max3A_111 = arith.maximumf %select_n3A, %select_n3A_86 : vector<16xf32>
      %max3A_112 = arith.maximumf %max3A_111, %select_n3A_90 : vector<16xf32>
      %max3A_113 = arith.maximumf %max3A_112, %select_n3A_94 : vector<16xf32>
      %max3A_114 = arith.maximumf %max3A_113, %select_n3A_98 : vector<16xf32>
      %max3A_115 = arith.maximumf %max3A_114, %select_n3A_102 : vector<16xf32>
      %max3A_116 = arith.maximumf %max3A_115, %select_n3A_106 : vector<16xf32>
      %max3A_117 = arith.maximumf %max3A_116, %select_n3A_110 : vector<16xf32>
      %ge3A = arith.cmpf oge, %div3A, %max3A_117 : vector<16xf32>
      %jit3A_118 = arith.constant 0.000000e+00 : f32
      %broadcast_in_dim3A_119 = vector.broadcast %jit3A_118 : f32 to vector<16xf32>
      %select_n3A_120 = arith.select %ge3A, %div3A, %broadcast_in_dim3A_119 : vector<16xi1>, vector<16xf32>
      %swap3A = arith.constant 0 : i32
      %swap3A_121 = arith.index_cast %swap3A : i32 to index
      %swap3A_122 = arith.constant 0 : index
      %swap3A_123 = tpu.vector_load %arg5[%swap3A_121, %swap3A_122] {strides = array<i32>} : memref<8x16xf32, #tpu.memory_space<vmem>>, vector<1x16xf32>,
      %swap3A_124 = vector.shape_cast %swap3A_123 : vector<1x16xf32> to vector<16xf32>
      %swap3A_125 = vector.shape_cast %select_n3A_120 : vector<16xf32> to vector<1x16xf32>
      tpu.vector_store %arg5[%swap3A_121, %swap3A_122], %swap3A_125 {strides = array<i32>} : memref<8x16xf32, #tpu.memory_space<vmem>>, vector<1x16xf32>,
      %ge3A_126 = arith.cmpf oge, %div3A_69, %max3A_117 : vector<16xf32>
      %jit3A_127 = arith.constant 0.000000e+00 : f32
      %broadcast_in_dim3A_128 = vector.broadcast %jit3A_127 : f32 to vector<16xf32>
      %select_n3A_129 = arith.select %ge3A_126, %div3A_69, %broadcast_in_dim3A_128 : vector<16xi1>, vector<16xf32>
      %swap3A_130 = arith.constant 1 : i32
      %swap3A_131 = arith.index_cast %swap3A_130 : i32 to index
      %swap3A_132 = arith.constant 0 : index
      %swap3A_133 = tpu.vector_load %arg5[%swap3A_131, %swap3A_132] {strides = array<i32>} : memref<8x16xf32, #tpu.memory_space<vmem>>, vector<1x16xf32>,
      %swap3A_134 = vector.shape_cast %swap3A_133 : vector<1x16xf32> to vector<16xf32>
      %swap3A_135 = vector.shape_cast %select_n3A_129 : vector<16xf32> to vector<1x16xf32>
      tpu.vector_store %arg5[%swap3A_131, %swap3A_132], %swap3A_135 {strides = array<i32>} : memref<8x16xf32, #tpu.memory_space<vmem>>, vector<1x16xf32>,
      %ge3A_136 = arith.cmpf oge, %div3A_70, %max3A_117 : vector<16xf32>
      %jit3A_137 = arith.constant 0.000000e+00 : f32
      %broadcast_in_dim3A_138 = vector.broadcast %jit3A_137 : f32 to vector<16xf32>
      %select_n3A_139 = arith.select %ge3A_136, %div3A_70, %broadcast_in_dim3A_138 : vector<16xi1>, vector<16xf32>
      %swap3A_140 = arith.constant 2 : i32
      %swap3A_141 = arith.index_cast %swap3A_140 : i32 to index
      %swap3A_142 = arith.constant 0 : index
      %swap3A_143 = tpu.vector_load %arg5[%swap3A_141, %swap3A_142] {strides = array<i32>} : memref<8x16xf32, #tpu.memory_space<vmem>>, vector<1x16xf32>,
      %swap3A_144 = vector.shape_cast %swap3A_143 : vector<1x16xf32> to vector<16xf32>
      %swap3A_145 = vector.shape_cast %select_n3A_139 : vector<16xf32> to vector<1x16xf32>
      tpu.vector_store %arg5[%swap3A_141, %swap3A_142], %swap3A_145 {strides = array<i32>} : memref<8x16xf32, #tpu.memory_space<vmem>>, vector<1x16xf32>,
      %ge3A_146 = arith.cmpf oge, %div3A_71, %max3A_117 : vector<16xf32>
      %jit3A_147 = arith.constant 0.000000e+00 : f32
      %broadcast_in_dim3A_148 = vector.broadcast %jit3A_147 : f32 to vector<16xf32>
      %select_n3A_149 = arith.select %ge3A_146, %div3A_71, %broadcast_in_dim3A_148 : vector<16xi1>, vector<16xf32>
      %swap3A_150 = arith.constant 3 : i32
      %swap3A_151 = arith.index_cast %swap3A_150 : i32 to index
      %swap3A_152 = arith.constant 0 : index
      %swap3A_153 = tpu.vector_load %arg5[%swap3A_151, %swap3A_152] {strides = array<i32>} : memref<8x16xf32, #tpu.memory_space<vmem>>, vector<1x16xf32>,
      %swap3A_154 = vector.shape_cast %swap3A_153 : vector<1x16xf32> to vector<16xf32>
      %swap3A_155 = vector.shape_cast %select_n3A_149 : vector<16xf32> to vector<1x16xf32>
      tpu.vector_store %arg5[%swap3A_151, %swap3A_152], %swap3A_155 {strides = array<i32>} : memref<8x16xf32, #tpu.memory_space<vmem>>, vector<1x16xf32>,
      %ge3A_156 = arith.cmpf oge, %div3A_72, %max3A_117 : vector<16xf32>
      %jit3A_157 = arith.constant 0.000000e+00 : f32
      %broadcast_in_dim3A_158 = vector.broadcast %jit3A_157 : f32 to vector<16xf32>
      %select_n3A_159 = arith.select %ge3A_156, %div3A_72, %broadcast_in_dim3A_158 : vector<16xi1>, vector<16xf32>
      %swap3A_160 = arith.constant 4 : i32
      %swap3A_161 = arith.index_cast %swap3A_160 : i32 to index
      %swap3A_162 = arith.constant 0 : index
      %swap3A_163 = tpu.vector_load %arg5[%swap3A_161, %swap3A_162] {strides = array<i32>} : memref<8x16xf32, #tpu.memory_space<vmem>>, vector<1x16xf32>,
      %swap3A_164 = vector.shape_cast %swap3A_163 : vector<1x16xf32> to vector<16xf32>
      %swap3A_165 = vector.shape_cast %select_n3A_159 : vector<16xf32> to vector<1x16xf32>
      tpu.vector_store %arg5[%swap3A_161, %swap3A_162], %swap3A_165 {strides = array<i32>} : memref<8x16xf32, #tpu.memory_space<vmem>>, vector<1x16xf32>,
      %ge3A_166 = arith.cmpf oge, %div3A_73, %max3A_117 : vector<16xf32>
      %jit3A_167 = arith.constant 0.000000e+00 : f32
      %broadcast_in_dim3A_168 = vector.broadcast %jit3A_167 : f32 to vector<16xf32>
      %select_n3A_169 = arith.select %ge3A_166, %div3A_73, %broadcast_in_dim3A_168 : vector<16xi1>, vector<16xf32>
      %swap3A_170 = arith.constant 5 : i32
      %swap3A_171 = arith.index_cast %swap3A_170 : i32 to index
      %swap3A_172 = arith.constant 0 : index
      %swap3A_173 = tpu.vector_load %arg5[%swap3A_171, %swap3A_172] {strides = array<i32>} : memref<8x16xf32, #tpu.memory_space<vmem>>, vector<1x16xf32>,
      %swap3A_174 = vector.shape_cast %swap3A_173 : vector<1x16xf32> to vector<16xf32>
      %swap3A_175 = vector.shape_cast %select_n3A_169 : vector<16xf32> to vector<1x16xf32>
      tpu.vector_store %arg5[%swap3A_171, %swap3A_172], %swap3A_175 {strides = array<i32>} : memref<8x16xf32, #tpu.memory_space<vmem>>, vector<1x16xf32>,
      %ge3A_176 = arith.cmpf oge, %div3A_74, %max3A_117 : vector<16xf32>
      %jit3A_177 = arith.constant 0.000000e+00 : f32
      %broadcast_in_dim3A_178 = vector.broadcast %jit3A_177 : f32 to vector<16xf32>
      %select_n3A_179 = arith.select %ge3A_176, %div3A_74, %broadcast_in_dim3A_178 : vector<16xi1>, vector<16xf32>
      %swap3A_180 = arith.constant 6 : i32
      %swap3A_181 = arith.index_cast %swap3A_180 : i32 to index
      %swap3A_182 = arith.constant 0 : index
      %swap3A_183 = tpu.vector_load %arg5[%swap3A_181, %swap3A_182] {strides = array<i32>} : memref<8x16xf32, #tpu.memory_space<vmem>>, vector<1x16xf32>,
      %swap3A_184 = vector.shape_cast %swap3A_183 : vector<1x16xf32> to vector<16xf32>
      %swap3A_185 = vector.shape_cast %select_n3A_179 : vector<16xf32> to vector<1x16xf32>
      tpu.vector_store %arg5[%swap3A_181, %swap3A_182], %swap3A_185 {strides = array<i32>} : memref<8x16xf32, #tpu.memory_space<vmem>>, vector<1x16xf32>,
      %ge3A_186 = arith.cmpf oge, %div3A_75, %max3A_117 : vector<16xf32>
      %jit3A_187 = arith.constant 0.000000e+00 : f32
      %broadcast_in_dim3A_188 = vector.broadcast %jit3A_187 : f32 to vector<16xf32>
      %select_n3A_189 = arith.select %ge3A_186, %div3A_75, %broadcast_in_dim3A_188 : vector<16xi1>, vector<16xf32>
      %swap3A_190 = arith.constant 7 : i32
      %swap3A_191 = arith.index_cast %swap3A_190 : i32 to index
      %swap3A_192 = arith.constant 0 : index
      %swap3A_193 = tpu.vector_load %arg5[%swap3A_191, %swap3A_192] {strides = array<i32>} : memref<8x16xf32, #tpu.memory_space<vmem>>, vector<1x16xf32>,
      %swap3A_194 = vector.shape_cast %swap3A_193 : vector<1x16xf32> to vector<16xf32>
      %swap3A_195 = vector.shape_cast %select_n3A_189 : vector<16xf32> to vector<1x16xf32>
      tpu.vector_store %arg5[%swap3A_191, %swap3A_192], %swap3A_195 {strides = array<i32>} : memref<8x16xf32, #tpu.memory_space<vmem>>, vector<1x16xf32>,
      "tpu.region"() ({
        %run_scoped3A = tpu.sem_alloc : memref<!tpu.dma_semaphore, #tpu.memory_space<semaphore_mem>>
        %dma_start3A = arith.constant 0 : i32
        %dma_start3A_196 = arith.constant 0 : i32
        %dma_start3A_197 = tpu.memref_slice %arg3[%add3A, %dma_start3A, %dma_start3A_196] : memref<16x8x16xf32, #tpu.memory_space<hbm>> -> memref<1x8x16xf32, #tpu.memory_space<hbm>>
        %dma_start3A_198 = tpu.memref_squeeze %dma_start3A_197 : memref<1x8x16xf32, #tpu.memory_space<hbm>> -> memref<8x16xf32, #tpu.memory_space<hbm>>
        %dma_start3A_199 = arith.constant 0 : i32
        %dma_start3A_200 = arith.constant 0 : i32
        %dma_start3A_201 = tpu.memref_slice %arg3[%add3A, %dma_start3A_199, %dma_start3A_200] : memref<16x8x16xf32, #tpu.memory_space<hbm>> -> memref<1x8x16xf32, #tpu.memory_space<hbm>>
        %dma_start3A_202 = tpu.memref_squeeze %dma_start3A_201 : memref<1x8x16xf32, #tpu.memory_space<hbm>> -> memref<8x16xf32, #tpu.memory_space<hbm>>
        tpu.enqueue_dma source(%arg5 : memref<8x16xf32, #tpu.memory_space<vmem>>) target(%dma_start3A_202 : memref<8x16xf32, #tpu.memory_space<hbm>>) target_semaphore(%run_scoped3A : memref<!tpu.dma_semaphore, #tpu.memory_space<semaphore_mem>>)
        %dma_wait3A = arith.constant 0 : i32
        %dma_wait3A_203 = arith.constant 0 : i32
        %dma_wait3A_204 = tpu.memref_slice %arg3[%add3A, %dma_wait3A, %dma_wait3A_203] : memref<16x8x16xf32, #tpu.memory_space<hbm>> -> memref<1x8x16xf32, #tpu.memory_space<hbm>>
        %dma_wait3A_205 = tpu.memref_squeeze %dma_wait3A_204 : memref<1x8x16xf32, #tpu.memory_space<hbm>> -> memref<8x16xf32, #tpu.memory_space<hbm>>
        %dma_wait3A_206 = arith.constant 0 : i32
        %dma_wait3A_207 = arith.constant 0 : i32
        %dma_wait3A_208 = tpu.memref_slice %arg3[%add3A, %dma_wait3A_206, %dma_wait3A_207] : memref<16x8x16xf32, #tpu.memory_space<hbm>> -> memref<1x8x16xf32, #tpu.memory_space<hbm>>
        %dma_wait3A_209 = tpu.memref_squeeze %dma_wait3A_208 : memref<1x8x16xf32, #tpu.memory_space<hbm>> -> memref<8x16xf32, #tpu.memory_space<hbm>>
        tpu.wait_dma2 semaphore(%run_scoped3A : memref<!tpu.dma_semaphore, #tpu.memory_space<semaphore_mem>>) src(%arg5 : memref<8x16xf32, #tpu.memory_space<vmem>>) dst(%dma_wait3A_209 : memref<8x16xf32, #tpu.memory_space<hbm>>)
        tpu.yield
      }) : () -> ()
    } else {
    }
    return
  }
}

module attributes {stable_mosaic.version = 14 : i64} {
  func.func @_router_body(%arg0: memref<256x2048xf32, #tpu.memory_space<vmem>>, %arg1: memref<2048x8xf32, #tpu.memory_space<vmem>>, %arg2: memref<16x8x16xf32, #tpu.memory_space<vmem>>) attributes {dimension_semantics = [], scalar_prefetch = 0 : i64, scratch_operands = 0 : i64, tpu.core_type = #tpu.core_type<tc>} {
    %get3A = arith.constant 0 : index
    %get3A_0 = arith.constant 0 : index
    %get3A_1 = vector.load %arg1[%get3A, %get3A_0] : memref<2048x8xf32, #tpu.memory_space<vmem>>, vector<2048x8xf32>
    %get3A_2 = arith.constant 0 : index
    %get3A_3 = arith.constant 0 : index
    %get3A_4 = vector.load %arg0[%get3A_2, %get3A_3] : memref<256x2048xf32, #tpu.memory_space<vmem>>, vector<256x2048xf32>
    %dot_general3A = arith.constant dense<0.000000e+00> : vector<8x256xf32>
    %dot_general3A_5 = tpu.matmul %get3A_1, %get3A_4, %dot_general3A {dimension_numbers = #tpu.dot_dimension_numbers<[0], [1], [1], [0], [0, 1, 1, 0], [], []>, transpose_lhs_hint = false} : vector<2048x8xf32>, vector<256x2048xf32>, vector<8x256xf32> -> vector<8x256xf32>
    %reshape3A = vector.shape_cast %dot_general3A_5 : vector<8x256xf32> to vector<8x16x16xf32>
    %transpose3A = tpu.transpose %reshape3A, [1, 0, 2] : vector<8x16x16xf32> -> vector<16x8x16xf32>
    %swap3A = arith.constant 0 : index
    %swap3A_6 = arith.constant 0 : index
    %swap3A_7 = arith.constant 0 : index
    %swap3A_8 = vector.load %arg2[%swap3A, %swap3A_6, %swap3A_7] : memref<16x8x16xf32, #tpu.memory_space<vmem>>, vector<16x8x16xf32>
    tpu.vector_store %arg2[%swap3A, %swap3A_6, %swap3A_7], %transpose3A {strides = array<i32>} : memref<16x8x16xf32, #tpu.memory_space<vmem>>, vector<16x8x16xf32>,
    return
  }
}

module attributes {stable_mosaic.version = 14 : i64} {
  func.func @_mlp_body(%arg0: i32, %arg1: i32, %arg2: memref<256x2048xf32, #tpu.memory_space<vmem>>, %arg3: memref<1x2048x512xf32, #tpu.memory_space<vmem>>, %arg4: memref<1x2048x512xf32, #tpu.memory_space<vmem>>, %arg5: memref<1x512x2048xf32, #tpu.memory_space<vmem>>, %arg6: memref<256x8xf32, #tpu.memory_space<vmem>>, %arg7: memref<256x2048xf32, #tpu.memory_space<vmem>>) attributes {dimension_semantics = [#tpu.dimension_semantics<arbitrary>, #tpu.dimension_semantics<arbitrary>], iteration_bounds = array<i64: 8, 16>, scalar_prefetch = 0 : i64, scratch_operands = 0 : i64, tpu.core_type = #tpu.core_type<tc>, window_params = [{pipeline_mode = #tpu.pipeline_mode<synchronous>, transform_indices = @transform_0, window_bounds = array<i64: 256, 2048>}, {transform_indices = @transform_1, window_bounds = array<i64: 1, 2048, 512>}, {transform_indices = @transform_2, window_bounds = array<i64: 1, 2048, 512>}, {transform_indices = @transform_3, window_bounds = array<i64: 1, 512, 2048>}, {pipeline_mode = #tpu.pipeline_mode<synchronous>, transform_indices = @transform_4, window_bounds = array<i64: 256, 8>}, {pipeline_mode = #tpu.pipeline_mode<synchronous>, transform_indices = @transform_5, window_bounds = array<i64: 256, 2048>}]} {
    %eq3A = arith.constant 0 : i32
    %eq3A_0 = arith.cmpi eq, %arg0, %eq3A : i32
    %eq3A_1 = arith.constant 0 : i32
    %eq3A_2 = arith.cmpi eq, %arg1, %eq3A_1 : i32
    %and3A = arith.andi %eq3A_0, %eq3A_2 : i1
    %convert_element_type3A = arith.extui %and3A : i1 to i32
    %cond3A = arith.constant 0 : i32
    %cond3A_3 = arith.cmpi ne, %convert_element_type3A, %cond3A : i32
    scf.if %cond3A_3 {
      %broadcast_in_dim3A_46 = arith.constant 0.000000e+00 : f32
      %broadcast_in_dim3A_47 = vector.broadcast %broadcast_in_dim3A_46 : f32 to vector<256x2048xf32>
      %swap3A_48 = arith.constant 0 : index
      %swap3A_49 = arith.constant 0 : index
      %swap3A_50 = vector.load %arg7[%swap3A_48, %swap3A_49] : memref<256x2048xf32, #tpu.memory_space<vmem>>, vector<256x2048xf32>
      tpu.vector_store %arg7[%swap3A_48, %swap3A_49], %broadcast_in_dim3A_47 {strides = array<i32>} : memref<256x2048xf32, #tpu.memory_space<vmem>>, vector<256x2048xf32>,
    } else {
    }
    %get3A = arith.constant 0 : index
    %get3A_4 = arith.constant 0 : index
    %get3A_5 = vector.load %arg2[%get3A, %get3A_4] : memref<256x2048xf32, #tpu.memory_space<vmem>>, vector<256x2048xf32>
    %get3A_6 = arith.constant 0 : index
    %get3A_7 = arith.constant 0 : index
    %get3A_8 = arith.constant 0 : index
    %get3A_9 = vector.load %arg3[%get3A_6, %get3A_7, %get3A_8] : memref<1x2048x512xf32, #tpu.memory_space<vmem>>, vector<1x2048x512xf32>
    %get3A_10 = vector.shape_cast %get3A_9 : vector<1x2048x512xf32> to vector<2048x512xf32>
    %dot_general3A = arith.constant dense<0.000000e+00> : vector<256x512xf32>
    %dot_general3A_11 = tpu.matmul %get3A_5, %get3A_10, %dot_general3A {dimension_numbers = #tpu.dot_dimension_numbers<[1], [0], [0], [1], [0, 0, 1, 1], [], []>, transpose_lhs_hint = false} : vector<256x2048xf32>, vector<2048x512xf32>, vector<256x512xf32> -> vector<256x512xf32>
    %get3A_12 = arith.constant 0 : index
    %get3A_13 = arith.constant 0 : index
    %get3A_14 = arith.constant 0 : index
    %get3A_15 = vector.load %arg4[%get3A_12, %get3A_13, %get3A_14] : memref<1x2048x512xf32, #tpu.memory_space<vmem>>, vector<1x2048x512xf32>
    %get3A_16 = vector.shape_cast %get3A_15 : vector<1x2048x512xf32> to vector<2048x512xf32>
    %dot_general3A_17 = arith.constant dense<0.000000e+00> : vector<256x512xf32>
    %dot_general3A_18 = tpu.matmul %get3A_5, %get3A_16, %dot_general3A_17 {dimension_numbers = #tpu.dot_dimension_numbers<[1], [0], [0], [1], [0, 0, 1, 1], [], []>, transpose_lhs_hint = false} : vector<256x2048xf32>, vector<2048x512xf32>, vector<256x512xf32> -> vector<256x512xf32>
    %logistic3A = arith.negf %dot_general3A_11 : vector<256x512xf32>
    %logistic3A_19 = math.exp %logistic3A : vector<256x512xf32>
    %logistic3A_20 = arith.constant 1.000000e+00 : f32
    %logistic3A_21 = vector.broadcast %logistic3A_20 : f32 to vector<256x512xf32>
    %logistic3A_22 = arith.addf %logistic3A_21, %logistic3A_19 : vector<256x512xf32>
    %logistic3A_23 = arith.divf %logistic3A_21, %logistic3A_22 : vector<256x512xf32>
    %mul3A = arith.mulf %dot_general3A_11, %logistic3A_23 : vector<256x512xf32>
    %mul3A_24 = arith.mulf %mul3A, %dot_general3A_18 : vector<256x512xf32>
    %iota3A = tpu.iota {dimensions = array<i32: 1>} : vector<256x8xi32>
    %eq3A_25 = vector.broadcast %arg0 : i32 to vector<256x8xi32>
    %eq3A_26 = arith.cmpi eq, %iota3A, %eq3A_25 : vector<256x8xi32>
    %get3A_27 = arith.constant 0 : index
    %get3A_28 = arith.constant 0 : index
    %get3A_29 = vector.load %arg6[%get3A_27, %get3A_28] : memref<256x8xf32, #tpu.memory_space<vmem>>, vector<256x8xf32>
    %jit3A = arith.constant 0.000000e+00 : f32
    %broadcast_in_dim3A = vector.broadcast %jit3A : f32 to vector<256x8xf32>
    %select_n3A = arith.select %eq3A_26, %get3A_29, %broadcast_in_dim3A : vector<256x8xi1>, vector<256x8xf32>
    %reduce_sum3A = arith.constant dense<0.000000e+00> : vector<256xf32>
    %reduce_sum3A_30 = vector.multi_reduction <add>, %select_n3A, %reduce_sum3A [1] : vector<256x8xf32> to vector<256xf32>
    %broadcast_in_dim3A_31 = vector.shape_cast %reduce_sum3A_30 : vector<256xf32> to vector<256x1xf32>
    %mul3A_32 = vector.broadcast %broadcast_in_dim3A_31 : vector<256x1xf32> to vector<256x512xf32>
    %mul3A_33 = arith.mulf %mul3A_24, %mul3A_32 : vector<256x512xf32>
    %get3A_34 = arith.constant 0 : index
    %get3A_35 = arith.constant 0 : index
    %get3A_36 = vector.load %arg7[%get3A_34, %get3A_35] : memref<256x2048xf32, #tpu.memory_space<vmem>>, vector<256x2048xf32>
    %get3A_37 = arith.constant 0 : index
    %get3A_38 = arith.constant 0 : index
    %get3A_39 = arith.constant 0 : index
    %get3A_40 = vector.load %arg5[%get3A_37, %get3A_38, %get3A_39] : memref<1x512x2048xf32, #tpu.memory_space<vmem>>, vector<1x512x2048xf32>
    %get3A_41 = vector.shape_cast %get3A_40 : vector<1x512x2048xf32> to vector<512x2048xf32>
    %dot_general3A_42 = arith.constant dense<0.000000e+00> : vector<256x2048xf32>
    %dot_general3A_43 = tpu.matmul %mul3A_33, %get3A_41, %dot_general3A_42 {dimension_numbers = #tpu.dot_dimension_numbers<[1], [0], [0], [1], [0, 0, 1, 1], [], []>, transpose_lhs_hint = false} : vector<256x512xf32>, vector<512x2048xf32>, vector<256x2048xf32> -> vector<256x2048xf32>
    %add3A = arith.addf %get3A_36, %dot_general3A_43 : vector<256x2048xf32>
    %swap3A = arith.constant 0 : index
    %swap3A_44 = arith.constant 0 : index
    %swap3A_45 = vector.load %arg7[%swap3A, %swap3A_44] : memref<256x2048xf32, #tpu.memory_space<vmem>>, vector<256x2048xf32>
    tpu.vector_store %arg7[%swap3A, %swap3A_44], %add3A {strides = array<i32>} : memref<256x2048xf32, #tpu.memory_space<vmem>>, vector<256x2048xf32>,
    return
  }
  func.func @transform_0(%arg0: i32, %arg1: i32) -> (i32, i32) {
    %c0_i32 = arith.constant 0 : i32
    %c0_i32_0 = arith.constant 0 : i32
    %c0_i32_1 = arith.constant 0 : i32
    return %c0_i32, %c0_i32_0 : i32, i32
  }
  func.func @transform_1(%arg0: i32, %arg1: i32) -> (i32, i32, i32) {
    %c0_i32 = arith.constant 0 : i32
    %c0_i32_0 = arith.constant 0 : i32
    return %arg0, %c0_i32, %arg1 : i32, i32, i32
  }
  func.func @transform_2(%arg0: i32, %arg1: i32) -> (i32, i32, i32) {
    %add3A = arith.constant 16 : i32
    %add3A_0 = arith.addi %arg1, %add3A : i32
    %c0_i32 = arith.constant 0 : i32
    %c0_i32_1 = arith.constant 0 : i32
    return %arg0, %c0_i32, %add3A_0 : i32, i32, i32
  }
  func.func @transform_3(%arg0: i32, %arg1: i32) -> (i32, i32, i32) {
    %c0_i32 = arith.constant 0 : i32
    %c0_i32_0 = arith.constant 0 : i32
    return %arg0, %arg1, %c0_i32 : i32, i32, i32
  }
  func.func @transform_4(%arg0: i32, %arg1: i32) -> (i32, i32) {
    %c0_i32 = arith.constant 0 : i32
    %c0_i32_0 = arith.constant 0 : i32
    %c0_i32_1 = arith.constant 0 : i32
    return %c0_i32, %c0_i32_0 : i32, i32
  }
  func.func @transform_5(%arg0: i32, %arg1: i32) -> (i32, i32) {
    %c0_i32 = arith.constant 0 : i32
    %c0_i32_0 = arith.constant 0 : i32
    %c0_i32_1 = arith.constant 0 : i32
    return %c0_i32, %c0_i32_0 : i32, i32
  }
}

</mosaic_0001>

<sc_bundles>
// kernel: kernel.5.cloned.1.call-start
scs
__scs_entry_jumppad:
0x0: {  	(pc) =	sbr.rel $0x88, $3  }
0x1: {  	(tag) =	ssettag $0x0;
	lr =	simm.s32 $0x1  }
0x2: {  	[smem:$0x3F9D] =	sst lr;
	_ =	strace $0xD0000000  }
0x3: {  	_ = 	snop  }
0x4: {  	_ = 	snop  }
0x5: {  	_ = 	snop  }
0x6: {  	_ = 	snop  }
0x7: {  	_ = 	snop  }
__scs_overlays_trampoline_lowered:
0x8: {  	[smem:$0x3FAC] =	sst s0  }
0x9: {  	[smem:$0x3FAD] =	sst s1  }
0xa: {  	[smem:$0x3FAE] =	sst s2  }
0xb: {  	[smem:$0x3FAF] =	sst s3  }
0xc: {  	[smem:$0x3FB0] =	sst s4  }
0xd: {  	[smem:$0x3FB1] =	sst s5  }
0xe: {  	[smem:$0x3FB2] =	sst s6  }
0xf: {  	[smem:$0x3FB3] =	sst s7  }
0x10: {  	[smem:$0x3FB4] =	sst s8  }
0x11: {  	[smem:$0x3FB5] =	sst s9;
	s0 =	simm.s32 @!p0 $0x0  }
0x12: {  	s1 =	sld [smem:$0x3F9B];
	s0 =	simm.s32 @p0 $0x1  }
0x13: {  	[smem:$0x3FB6] =	sst s0;
	s0 =	simm.s32 @!p1 $0x0  }
0x14: {  	s2 =	sld [smem:$0x3F9A];
	s0 =	simm.s32 @p1 $0x1  }
0x15: {  	[smem:$0x3FB7] =	sst s0;
	s0 =	simm.s32 @!p2 $0x0  }
0x16: {  	s3 =	sld [smem:$0x3FDB];
	s0 =	simm.s32 @p2 $0x1  }
0x17: {  	s4 =	simm.s32 $0x1BF5;
	[smem:$0x3FB9] =	sst s0  }
0x18: {  	s0 =	sld [smem:$0x3F9C];
	_ =	swait.ge [sflag:s4], $0x0  }
0x19: {  	s7 =	sld [smem:$0x3F9D]  }
0x1a: {  	s8 =	sadd.s32 $0xFFFFE003, lr  }
0x1b: {  	s9 =	sadd.s32 $0xFFFFFEF7, lr;
	s5 =	simm.s32 $0xFFFFFFFF;
	p2 =	slt.u32 s8, $0xFFFFF086  }
0x1c: {  	p1 =	slt.u32 s9, $0xF7A;
	s5 =	simm.s32 @!p2 $0x0  }
0x1d: {  	s5 =	simm.s32 @p1 $0x1;
	p0 =	seq.s32 s7, s2  }
0x1e: {  	s7 =	smul.u32 @!p0 $0xF7A, s2;
	p2 =	seq.s32 @!p0 s5, $0x0  }
0x1f: {  	s9 =	smul.u32 $0xF7A, s1;
	s8 =	simm.s32 @!p0 $0x1BF5;
	p2 =	por !p2, p0  }
0x20: {  	[sflag:s8] =	ssyncset.s32 @!p0 $0xFFFFF086;
	s6 =	sadd.s32 @!p0 s3, s7;
	s7 =	simm.s32 @!p0 $0x108  }
0x21: {  	s3 =	sadd.s32 s3, s9;
	s6 =	sadd.s32 @!p0 $0x88, s6;
	s7 =	simm.s32 @p2 $0x1082  }
0x22: {  	[simem:s7], [sflag:s8] =	dma.local @!p0 [hbm:s6], $0xF7A  }
0x23: {  	s9 =	sor.u32 $0xD0000000, s2;
	s6 =	simm.s32 $0x108;
	_ =	swait.ge @!p0 [sflag:s8], $0x0  }
0x24: {  	s3 =	sadd.s32 $0x88, s3;
	s6 =	simm.s32 @!p1 $0x1082;
	[sflag:s4] =	ssyncset.s32 $0xFFFFF086  }
0x25: {  	[simem:s6], [sflag:s4] =	dma.local [hbm:s3], $0xF7A  }
0x26: {  	[smem:$0x3F9D] =	sst s1;
	(tag) =	ssettag s2;
	_ =	strace s9  }
0x27: {  	s1 =	sld [smem:$0x3FAD]  }
0x28: {  	s2 =	sld [smem:$0x3FAE]  }
0x29: {  	s4 =	sld [smem:$0x3FB0]  }
0x2a: {  	p0 =	seq.s32 s5, $0x0;
	s5 =	sld [smem:$0x3FB1]  }
0x2b: {  	s6 =	sld [smem:$0x3FB2]  }
0x2c: {  	s7 =	sld [smem:$0x3FB3]  }
0x2d: {  	s3 =	simm.s32 $0x108;
	s8 =	sld [smem:$0x3FB4]  }
0x2e: {  	s3 =	simm.s32 @!p0 $0x1082;
	s9 =	sld [smem:$0x3FB5]  }
0x2f: {  	lr =	sadd.s32 s0, s3;
	s0 =	sld [smem:$0x3FAC]  }
0x30: {  	s3 =	sld [smem:$0x3FAF]  }
0x31: {  	[smem:$0x3FB8] =	sst s10  }
0x32: {  	s10 =	sld [smem:$0x3FB6];
	_ =	sdelay $0x3  }
0x33: {  	p0 =	seq.s32 s10, $0x1;
	s10 =	sld [smem:$0x3FB8];
	_ =	sdelay $0x3  }
0x34: {  	[smem:$0x3FB8] =	sst s10  }
0x35: {  	s10 =	sld [smem:$0x3FB7];
	_ =	sdelay $0x3  }
0x36: {  	p1 =	seq.s32 s10, $0x1;
	s10 =	sld [smem:$0x3FB8];
	_ =	sdelay $0x3  }
0x37: {  	[smem:$0x3FB8] =	sst s10  }
0x38: {  	s10 =	sld [smem:$0x3FB9]  }
0x39: {  	_ = 	snop;
	(pc) =	sbr.ind lr, $3  }
0x3a: {  	_ = 	snop  }
0x3b: {  	_ = 	snop  }
0x3c: {  	p2 =	seq.s32 s10, $0x1;
	s10 =	sld [smem:$0x3FB8]  }
0x3d: {  	_ =	shalt  }
0x3e: {  	_ =	shalt  }
0x3f: {  	_ =	shalt  }
0x40: {  	_ =	shalt  }
0x41: {  	_ =	shalt  }
0x42: {  	_ =	shalt  }
0x43: {  	_ =	shalt  }
0x44: {  	_ =	shalt  }
0x45: {  	_ =	shalt  }
0x46: {  	_ =	shalt  }
0x47: {  	_ =	shalt  }
0x48: {  	_ =	shalt  }
0x49: {  	_ =	shalt  }
0x4a: {  	_ =	shalt  }
0x4b: {  	_ =	shalt  }
0x4c: {  	_ =	shalt  }
0x4d: {  	_ =	shalt  }
0x4e: {  	_ =	shalt  }
0x4f: {  	_ =	shalt  }
0x50: {  	_ =	shalt  }
0x51: {  	_ =	shalt  }
0x52: {  	_ =	shalt  }
0x53: {  	_ =	shalt  }
0x54: {  	_ =	shalt  }
0x55: {  	_ =	shalt  }
0x56: {  	_ =	shalt  }
0x57: {  	_ =	shalt  }
0x58: {  	_ =	shalt  }
0x59: {  	_ =	shalt  }
0x5a: {  	_ =	shalt  }
0x5b: {  	_ =	shalt  }
0x5c: {  	_ =	shalt  }
0x5d: {  	_ =	shalt  }
0x5e: {  	_ =	shalt  }
0x5f: {  	_ =	shalt  }
0x60: {  	_ =	shalt  }
0x61: {  	_ =	shalt  }
0x62: {  	_ =	shalt  }
0x63: {  	_ =	shalt  }
0x64: {  	_ =	shalt  }
0x65: {  	_ =	shalt  }
0x66: {  	_ =	shalt  }
0x67: {  	_ =	shalt  }
0x68: {  	_ =	shalt  }
0x69: {  	_ =	shalt  }
0x6a: {  	_ =	shalt  }
0x6b: {  	_ =	shalt  }
0x6c: {  	_ =	shalt  }
0x6d: {  	_ =	shalt  }
0x6e: {  	_ =	shalt  }
0x6f: {  	_ =	shalt  }
0x70: {  	_ =	shalt  }
0x71: {  	_ =	shalt  }
0x72: {  	_ =	shalt  }
0x73: {  	_ =	shalt  }
0x74: {  	_ =	shalt  }
0x75: {  	_ =	shalt  }
0x76: {  	_ =	shalt  }
0x77: {  	_ =	shalt  }
0x78: {  	_ =	shalt  }
0x79: {  	_ =	shalt  }
0x7a: {  	_ =	shalt  }
0x7b: {  	_ =	shalt  }
0x7c: {  	_ =	shalt  }
0x7d: {  	_ =	shalt  }
0x7e: {  	_ =	shalt  }
0x7f: {  	_ =	shalt  }
0x80: {  	_ =	shalt  }
0x81: {  	_ =	shalt  }
0x82: {  	_ =	shalt  }
0x83: {  	_ =	shalt  }
0x84: {  	_ =	shalt  }
0x85: {  	_ =	shalt  }
0x86: {  	_ =	shalt  }
0x87: {  	_ =	shalt  }
.Lfunc_end0:
.L_simem_size_0:
called_computation_lowered:
.L_overlay_start_0:
0x88: {  	s2 =	sld [smem:$0x3FD9]  }
0x89: {  	s3 =	sld [smem:$0x3FFE];
	_ =	sdelay $0x1  }
0x8a: {  	s1 =	srdreg.scid  }
0x8b: {  	s0 =	sand.u32 $0x1, s1  }
0x8c: {  	s17 =	sshll.u32 s0, $0xA;
	s2 =	sadd.s32 s3, s2  }
0x8d: {  	s2 =	sadd.s32 s2, s17  }
0x8e: {  	[smem:$0x3FC4] =	sst s2  }
0x8f: {  	_ = 	snop  }
0x90: {  	s2 =	sld [smem:$0x3FD0];
	(tm) =	ssettm $0x1  }
0x91: {  	s18 =	sld [smem:$0x3FFB];
	_ =	sdelay $0x3  }
0x92: {  	_ =	strace s18  }
0x93: {  	s3 =	sld [smem:$0x3FFC];
	_ =	sdelay $0x3  }
0x94: {  	_ =	strace s3  }
0x95: {  	s3 =	sld [smem:$0x3FFD];
	_ =	sdelay $0x3  }
0x96: {  	_ =	strace s3  }
0x97: {  	_ =	strace $0x8FFFFFFF  }
0x98: {  	s19 =	sld [smem:$0x3FDB];
	_ =	sdelay $0x1  }
0x99: {  	s4 =	simm.s32 $_scs_section_size  }
0x9a: {  	s5 =	simm.s32 $_size__tile_overlayer_lowered;
	s6 =	simm.s32 $_tile_overlayer_lowered  }
0x9b: {  	s22 =	simm.s32 $0x1BFF;
	s21 =	sshll.u32 s6, $0x1;
	s3 =	sadd.s32 s4, s19  }
0x9c: {  	s7 =	simm.s32 $0x0;
	s20 =	sshll.u32 s5, $0x1;
	s5 =	sadd.s32 s21, s3  }
0x9d: {  	[timem:s7], [sflag:s22] =	dma.local [hbm:s5], s20  }
0x9e: {  	_ =	swait.ge [sflag:s22], s20  }
0x9f: {  	s4 =	ssub.s32 $0x0, s20;
	[sflag:s22] =	ssyncset.done $0x0  }
0xa0: {  	[sflag:s22] =	ssyncadd.s32 s4;
	_ =	sdelay $0x1  }
0xa1: {  	s23 =	simm.s32 $0x1B8B  }
0xa2: {  	_ =	swait.ge [sflag:s23], $0x1  }
0xa3: {  	[sflag:s23] =	ssyncset.done $0x0  }
0xa4: {  	s25 =	simm.s32 $0x1B8E;
	s24 =	sld [smem:$0x3FFE];
	[sflag:s23] =	ssyncadd.s32 $0xFFFFFFFF  }
0xa5: {  	s26 =	simm.s32 $execute0_lowered;
	[smem:$0x3FD2] =	sst s25  }
0xa6: {  	s5 =	sshll.u32 s26, $0x1;
	_ =	strace $0x80000046;
	[dreg:$0x1] =	wrdreg $0xFFFFFFFF  }
0xa7: {  	s28 =	simm.s32 $_size_execute0_lowered;
	s3 =	sadd.s32 s3, s5;
	[dreg:$0x0] =	wrdreg $0x0  }
0xa8: {  	s5 =	sshll.u32 s28, $0x1;
	[dreg:$0x2] =	wrdreg s3  }
0xa9: {  	[dreg:$0x3] =	wrdreg s5  }
0xaa: {  	[dreg:$0x4] =	wrdreg $0xC0  }
0xab: {  	_ =	task [dreg:s7], $0x5FFFF  }
0xac: {  	[dreg:$0x1] =	wrdreg $0xFFFFFFFF  }
0xad: {  	[dreg:$0x0] =	wrdreg $0x60  }
0xae: {  	[dreg:$0x2] =	wrdreg s2  }
0xaf: {  	[dreg:$0x3] =	wrdreg s24  }
0xb0: {  	[dreg:$0x4] =	wrdreg $0x9  }
0xb1: {  	_ =	task.clear_ibuf [dreg:s7], $0x5FFFF;
	_ =	strace $0x90000046  }
0xb2: {  	s29 =	simm.s32 $0x9;
	_ =	strace $0x80000048  }
0xb3: {  	_ =	swait.ge [sflag:s29], $0x1  }
0xb4: {  	[sflag:s29] =	ssyncadd.s32 $0xFFFFFFFF  }
0xb5: {  	_ =	strace $0x90000048  }
0xb6: {  	_ =	sfence  }
0xb7: {  	s30 =	sld [smem:$0x0];
	_ =	sdelay $0x2  }
0xb8: {  	s31 =	sshll.u32 s1, $0xD;
	s1 =	sshrl.u32 s1, $0x2  }
0xb9: {  	s3 =	sand.u32 $0x4000, s31;
	s1 =	sadd.s32 s1, s30  }
0xba: {  	s0 =	sor.u32 s3, s0;
	s1 =	sshll.u32 s1, $0x11  }
0xbb: {  	s0 =	sor.u32 s1, s0  }
0xbc: {  	s0 =	sadd.s32 $0x8F2B, s0  }
0xbd: {  	[sflag:s0] =	ssyncadd.remote.s32 $0x1  }
0xbe: {  	_ =	sfence.sel $0xFFFF  }
0xbf: {  	[dreg:$0x0] =	wrdreg $0xFFFFFFFF;
	(pc) =	sbr.abs _section_cstart, $3  }
0xc0: {  	[dreg:$0x1] =	wrdreg $0xFFFFFFFF  }
0xc1: {  	_ =	task.clear_ibuf [dreg:s7], $0x2FFFF;
	_ =	strace $0x9FFFFFFF  }
0xc2: {  	(tm) =	ssettm $0x7FFFFFFF  }
0xc3: {  	_ =	shalt  }
tec
execute0_lowered:
.L_overlay_start_1:
0x0: {  	(tag) =	ssettag $0x1  }
0x1: {  	s1 =	stileid.u32  }
0x2: {  	p0 =	sgt.u32 s1, $0x7  }
.Ltmp0:
0x3: {  	_ = 	snop;
	(pc) =	sbr.rel @p0 .LBB2_4-.Ltmp0, $4  }
0x4: {  	s3 =	rddreg [dreg:$0x0]  }
0x5: {  	s4 =	rddreg [dreg:$0x1];
	s2 =	simm.s32 $0x0  }
0x6: {  	[smem:$0x7FF] =	sst s2  }
0x7: {  	s0 =	rddreg [dreg:$0x2];
	_ =	strace $0x80000047  }
0x8: {  	s5 =	srdreg.scid  }
0x9: {  	s5 =	sand.u32 $0x1, s5  }
0xa: {  	s6 =	sshll.u32 s1, $0x8;
	s7 =	sshll.u32 s5, $0x7  }
0xb: {  	s7 =	sor.u32 s7, s6  }
0xc: {  	s6 =	sadd.s32 s3, s7;
	s3 =	simm.s32 $0x1  }
0xd: {  	[tilespmem:s2], [sflag:$0x1] =	stream.linear.gather [hbm4b:s6+s2], $0x400, $0x38;
	[tilespmem:$0x800] =	vst v63  }
0xe: {  	_ =	swait.ge [sflag:s3], $0x400  }
0xf: {  	[sflag:s3] =	ssyncset.done $0x0  }
0x10: {  	[sflag:s3] =	ssyncadd.s32 $0xFFFFFC00  }
0x11: {  	v0 =	vld [tilespmem:$0x0]  }
0x12: {  	v1 =	vld [tilespmem:$0x80]  }
0x13: {  	v2 =	vld [tilespmem:$0x100]  }
0x14: {  	v3 =	vld [tilespmem:$0x180]  }
0x15: {  	v4 =	vld [tilespmem:$0x200]  }
0x16: {  	v5 =	vld [tilespmem:$0x280]  }
0x17: {  	v6 =	vld [tilespmem:$0x300];
	v7 =	vmax.f32 v0, v1  }
0x18: {  	v8 =	vld [tilespmem:$0x380];
	v7 =	vmax.f32 v7, v2  }
0x19: {  	v7 =	vmax.f32 v7, v3  }
0x1a: {  	v7 =	vmax.f32 v7, v4  }
0x1b: {  	v7 =	vmax.f32 v7, v5  }
0x1c: {  	v7 =	vmax.f32 v7, v6  }
0x1d: {  	v7 =	vmax.f32 v7, v8  }
0x1e: {  	v0 =	vsub.f32 v0, v7;
	_ =	sdelay $0x1  }
0x1f: {  	v1 =	vsub.f32 v1, v7;
	v0 =	vmul.f32 $1.442695020e+00, v0;
	_ =	sdelay $0x1  }
0x20: {  	v1 =	vmul.f32 $1.442695020e+00, v1;
	(erf) = vpow2.f32 v0;
	v0 =	vsub.f32 v2, v7;
	_ =	sdelay $0x1  }
0x21: {  	(erf) = vpow2.f32 v1;
	v1 =	vsub.f32 v3, v7;
	v0 =	vmul.f32 $1.442695020e+00, v0  }
0x22: {  	s5 =	ssub.s32 $0x2, s5  }
0x23: {  	s8 =	sshrl.u32 s5, $0x1;
	v2 =	vsub.f32 v4, v7;
	v1 =	vmul.f32 $1.442695020e+00, v1;
	(erf) = vpow2.f32 v0  }
0x24: {  	s5 =	ssub.s32 s5, s8  }
0x25: {  	s8 =	smax.u32 s5, $0x1;
	v3 =	vsub.f32 v5, v7;
	v2 =	vmul.f32 $1.442695020e+00, v2;
	(erf) = vpow2.f32 v1  }
0x26: {  	p0 =	sne.s32 s8, $0x1  }
.Ltmp1:
0x27: {  	v4 =	vsub.f32 v6, v7;
	v3 =	vmul.f32 $1.442695020e+00, v3;
	(erf) = vpow2.f32 v2;
	(pc) =	sbr.rel @!p0 .LBB2_3-.Ltmp1, $4  }
0x28: {  	_ = 	snop  }
0x29: {  	v5 =	vsub.f32 v8, v7;
	v4 =	vmul.f32 $1.442695020e+00, v4;
	v0 =	vpop (erf);
	(erf) = vpow2.f32 v3  }
0x2a: {  	s4 =	sadd.s32 s7, s4;
	v1 =	vpop (erf)  }
0x2b: {  	s4 =	sadd.s32 $0xA00, s4;
	s5 =	simm.s32 $0x400;
	s7 =	sadd.s32 $0xFFFFFFFF, s8;
	v2 =	vmul.f32 $1.442695020e+00, v5;
	(erf) = vpow2.f32 v4;
	v3 =	vadd.f32 v1, v0  }
.LBB2_2:
0x2c: {  	p0 =	sne.s32 s7, $0x1;
	s7 =	sadd.s32 $0xFFFFFFFF, s7;
	v4 =	vpop (erf)  }
0x2d: {  	v3 =	vadd.f32 v3, v4;
	(erf) = vpow2.f32 v2  }
0x2e: {  	v2 =	vpop (erf)  }
0x2f: {  	v3 =	vadd.f32 v3, v2  }
0x30: {  	v5 =	vpop (erf)  }
0x31: {  	v3 =	vadd.f32 v3, v5  }
0x32: {  	v6 =	vpop (erf)  }
0x33: {  	v3 =	vadd.f32 v3, v6  }
0x34: {  	v7 =	vpop (erf)  }
0x35: {  	v3 =	vadd.f32 v3, v7  }
0x36: {  	v8 =	vpop (erf)  }
0x37: {  	v3 =	vadd.f32 v3, v8;
	_ =	sdelay $0x1  }
0x38: {  	(erf) = vrcp.f32 v3;
	_ =	sdelay $0x8  }
0x39: {  	v3 =	vpop (erf)  }
0x3a: {  	v0 =	vmul.f32 v3, v0;
	v1 =	vmul.f32 v3, v1  }
0x3b: {  	v4 =	vmul.f32 v3, v4  }
0x3c: {  	v2 =	vmul.f32 v3, v2;
	v9 =	vmax.f32 v0, v1  }
0x3d: {  	v5 =	vmul.f32 v3, v5;
	v9 =	vmax.f32 v9, v4  }
0x3e: {  	v6 =	vmul.f32 v3, v6;
	v9 =	vmax.f32 v9, v2  }
0x3f: {  	v7 =	vmul.f32 v3, v7;
	v9 =	vmax.f32 v9, v5  }
0x40: {  	v3 =	vmul.f32 v3, v8;
	v8 =	vmax.f32 v9, v6  }
0x41: {  	v8 =	vmax.f32 v8, v7  }
0x42: {  	v8 =	vmax.f32 v8, v3  }
0x43: {  	vm0 =	veq.f32 v0, v8;
	vm1 =	veq.f32 v1, v8;
	vm2 =	veq.f32 v4, v8  }
0x44: {  	v9 =	vsel vm0, $0xBF800000, v0;
	v10 =	vsel vm1, $0xBF800000, v1;
	v11 =	vsel vm2, $0xBF800000, v4  }
0x45: {  	vm0 =	veq.f32 v2, v8;
	vm1 =	veq.f32 v5, v8;
	v9 =	vmax.f32 v9, v10  }
0x46: {  	v10 =	vsel vm0, $0xBF800000, v2;
	v12 =	vsel vm1, $0xBF800000, v5;
	v9 =	vmax.f32 v9, v11  }
0x47: {  	vm0 =	veq.f32 v6, v8;
	vm1 =	veq.f32 v7, v8;
	v9 =	vmax.f32 v9, v10  }
0x48: {  	v11 =	vsel vm1, $0xBF800000, v7;
	v10 =	vsel vm0, $0xBF800000, v6;
	v9 =	vmax.f32 v9, v12  }
0x49: {  	vm0 =	veq.f32 v3, v8;
	v8 =	vmax.f32 v9, v10  }
0x4a: {  	v9 =	vsel vm0, $0xBF800000, v3;
	v8 =	vmax.f32 v8, v11  }
0x4b: {  	v8 =	vmax.f32 v8, v9  }
0x4c: {  	vm0 =	vge.f32 v0, v8;
	vm1 =	vge.f32 v6, v8;
	vm2 =	vge.f32 v7, v8  }
0x4d: {  	v0 =	vnsel vm0, $0x0, v0;
	v6 =	vnsel vm1, $0x0, v6;
	v7 =	vnsel vm2, $0x0, v7  }
0x4e: {  	vm0 =	vge.f32 v1, v8;
	vm1 =	vge.f32 v4, v8;
	vm2 =	vge.f32 v2, v8;
	[tilespmem:$0x400] =	vst v0  }
0x4f: {  	v0 =	vnsel vm0, $0x0, v1;
	v1 =	vnsel vm1, $0x0, v4;
	v2 =	vnsel vm2, $0x0, v2;
	[tilespmem:$0x700] =	vst v7  }
0x50: {  	[tilespmem:$0x680] =	vst v6  }
0x51: {  	[tilespmem:$0x480] =	vst v0  }
0x52: {  	vm0 =	vge.f32 v3, v8;
	[tilespmem:$0x500] =	vst v1  }
0x53: {  	vm1 =	vge.f32 v5, v8;
	v0 =	vnsel vm0, $0x0, v3;
	[tilespmem:$0x580] =	vst v2  }
0x54: {  	v1 =	vnsel vm1, $0x0, v5;
	[tilespmem:$0x780] =	vst v0  }
0x55: {  	[tilespmem:$0x600] =	vst v1  }
0x56: {  	[hbm4b:s4+s2] =	stream.linear.scatter [tilespmem:s5], [sflag:$0x1], $0x400, $0x38;
	[tilespmem:$0x800] =	vst v63  }
0x57: {  	_ =	swait.ge [sflag:s3], $0x400  }
0x58: {  	[sflag:s3] =	ssyncset.done $0x0  }
0x59: {  	[sflag:s3] =	ssyncadd.s32 $0xFFFFFC00  }
0x5a: {  	[tilespmem:s2], [sflag:$0x1] =	stream.linear.gather [hbm4b:s6+s2], $0x400, $0x38;
	[tilespmem:$0x800] =	vst v63  }
0x5b: {  	_ =	swait.ge [sflag:s3], $0x400  }
0x5c: {  	[sflag:s3] =	ssyncset.done $0x0  }
0x5d: {  	[sflag:s3] =	ssyncadd.s32 $0xFFFFFC00  }
0x5e: {  	v0 =	vld [tilespmem:$0x0]  }
0x5f: {  	v1 =	vld [tilespmem:$0x80]  }
0x60: {  	v2 =	vld [tilespmem:$0x100]  }
0x61: {  	v3 =	vld [tilespmem:$0x180]  }
0x62: {  	v4 =	vld [tilespmem:$0x200]  }
0x63: {  	v5 =	vld [tilespmem:$0x280]  }
0x64: {  	v6 =	vld [tilespmem:$0x300];
	v7 =	vmax.f32 v0, v1  }
0x65: {  	v8 =	vld [tilespmem:$0x380];
	v7 =	vmax.f32 v7, v2  }
0x66: {  	v7 =	vmax.f32 v7, v3  }
0x67: {  	v7 =	vmax.f32 v7, v4  }
0x68: {  	v7 =	vmax.f32 v7, v5  }
0x69: {  	v7 =	vmax.f32 v7, v6  }
0x6a: {  	v7 =	vmax.f32 v7, v8  }
0x6b: {  	v0 =	vsub.f32 v0, v7;
	v1 =	vsub.f32 v1, v7  }
0x6c: {  	v2 =	vsub.f32 v2, v7;
	v3 =	vsub.f32 v3, v7  }
0x6d: {  	v4 =	vsub.f32 v4, v7;
	v0 =	vmul.f32 $1.442695020e+00, v0;
	v1 =	vmul.f32 $1.442695020e+00, v1  }
0x6e: {  	v9 =	vmul.f32 $1.442695020e+00, v2;
	v3 =	vmul.f32 $1.442695020e+00, v3;
	v2 =	vsub.f32 v5, v7  }
0x6f: {  	v4 =	vmul.f32 $1.442695020e+00, v4;
	v5 =	vsub.f32 v6, v7;
	(erf) = vpow2.f32 v0  }
0x70: {  	v6 =	vmul.f32 $1.442695020e+00, v2;
	v0 =	vsub.f32 v8, v7;
	(erf) = vpow2.f32 v1  }
0x71: {  	v5 =	vmul.f32 $1.442695020e+00, v5  }
0x72: {  	v2 =	vmul.f32 $1.442695020e+00, v0;
	(erf) = vpow2.f32 v9;
	_ =	sdelay $0x1  }
0x73: {  	(erf) = vpow2.f32 v3;
	_ =	sdelay $0x1  }
.Ltmp2:
0x74: {  	(erf) = vpow2.f32 v4;
	(pc) =	sbr.rel @p0 .LBB2_2-.Ltmp2, $4  }
0x75: {  	_ = 	snop  }
0x76: {  	v0 =	vpop (erf);
	(erf) = vpow2.f32 v6  }
0x77: {  	v1 =	vpop (erf)  }
0x78: {  	v3 =	vadd.f32 v1, v0;
	(erf) = vpow2.f32 v5  }
.LBB2_3:
0x79: {  	v4 =	vpop (erf)  }
0x7a: {  	v3 =	vadd.f32 v3, v4;
	(erf) = vpow2.f32 v2  }
0x7b: {  	v50 =	vpop (erf)  }
0x7c: {  	v3 =	vadd.f32 v3, v50  }
0x7d: {  	v5 =	vpop (erf)  }
0x7e: {  	v3 =	vadd.f32 v3, v5  }
0x7f: {  	v6 =	vpop (erf)  }
0x80: {  	v3 =	vadd.f32 v3, v6  }
0x81: {  	v7 =	vpop (erf)  }
0x82: {  	v3 =	vadd.f32 v3, v7  }
0x83: {  	v8 =	vpop (erf)  }
0x84: {  	v3 =	vadd.f32 v3, v8;
	_ =	sdelay $0x1  }
0x85: {  	(erf) = vrcp.f32 v3;
	_ =	sdelay $0x8  }
0x86: {  	v3 =	vpop (erf)  }
0x87: {  	v0 =	vmul.f32 v3, v0;
	v1 =	vmul.f32 v3, v1  }
0x88: {  	v4 =	vmul.f32 v3, v4  }
0x89: {  	v2 =	vmul.f32 v3, v50;
	v9 =	vmax.f32 v0, v1  }
0x8a: {  	v5 =	vmul.f32 v3, v5;
	v9 =	vmax.f32 v9, v4  }
0x8b: {  	v6 =	vmul.f32 v3, v6;
	v9 =	vmax.f32 v9, v2  }
0x8c: {  	v7 =	vmul.f32 v3, v7;
	v9 =	vmax.f32 v9, v5  }
0x8d: {  	v3 =	vmul.f32 v3, v8;
	v51 =	vmax.f32 v9, v6  }
0x8e: {  	v8 =	vmax.f32 v51, v7  }
0x8f: {  	v8 =	vmax.f32 v8, v3  }
0x90: {  	vm0 =	veq.f32 v0, v8;
	vm1 =	veq.f32 v1, v8  }
0x91: {  	vm2 =	veq.f32 v4, v8;
	v52 =	vsel vm0, $0xBF800000, v0;
	v10 =	vsel vm1, $0xBF800000, v1  }
0x92: {  	vm15 =	veq.f32 v2, v8;
	v11 =	vsel vm2, $0xBF800000, v4;
	v9 =	vmax.f32 v52, v10  }
0x93: {  	vm4 =	veq.f32 v5, v8;
	v53 =	vsel vm15, $0xBF800000, v2;
	v9 =	vmax.f32 v9, v11  }
0x94: {  	vm5 =	veq.f32 v6, v8;
	v54 =	vsel vm4, $0xBF800000, v5;
	v9 =	vmax.f32 v9, v53  }
0x95: {  	vm6 =	veq.f32 v7, v8;
	v55 =	vsel vm5, $0xBF800000, v6;
	v9 =	vmax.f32 v9, v54  }
0x96: {  	vm7 =	veq.f32 v3, v8;
	v56 =	vsel vm6, $0xBF800000, v7;
	v57 =	vmax.f32 v9, v55  }
0x97: {  	v58 =	vsel vm7, $0xBF800000, v3;
	v8 =	vmax.f32 v57, v56  }
0x98: {  	v8 =	vmax.f32 v8, v58  }
0x99: {  	vm8 =	vge.f32 v0, v8  }
0x9a: {  	vm9 =	vge.f32 v7, v8;
	v0 =	vnsel vm8, $0x0, v0  }
0x9b: {  	vm10 =	vge.f32 v6, v8;
	v7 =	vnsel vm9, $0x0, v7;
	[tilespmem:$0x400] =	vst v0  }
0x9c: {  	vm11 =	vge.f32 v1, v8;
	v59 =	vnsel vm10, $0x0, v6;
	[tilespmem:$0x700] =	vst v7  }
0x9d: {  	vm12 =	vge.f32 v4, v8;
	v1 =	vnsel vm11, $0x0, v1;
	[tilespmem:$0x680] =	vst v59  }
0x9e: {  	vm13 =	vge.f32 v2, v8;
	v60 =	vnsel vm12, $0x0, v4;
	[tilespmem:$0x480] =	vst v1  }
0x9f: {  	vm14 =	vge.f32 v3, v8;
	v61 =	vnsel vm13, $0x0, v2;
	[tilespmem:$0x500] =	vst v60  }
0xa0: {  	vm15 =	vge.f32 v5, v8;
	v62 =	vnsel vm14, $0x0, v3;
	[tilespmem:$0x580] =	vst v61  }
0xa1: {  	v63 =	vnsel vm15, $0x0, v5;
	[tilespmem:$0x780] =	vst v62  }
0xa2: {  	[tilespmem:$0x600] =	vst v63  }
0xa3: {  	[hbm4b:s4+s2] =	stream.linear.scatter [tilespmem:s5], [sflag:$0x1], $0x400, $0x38;
	[tilespmem:$0x800] =	vst v63  }
0xa4: {  	_ =	swait.ge [sflag:s3], $0x400  }
0xa5: {  	[sflag:s3] =	ssyncset.done $0x0  }
0xa6: {  	[sflag:s3] =	ssyncadd.s32 $0xFFFFFC00  }
.LBB2_4:
0xa7: {  	_ =	sfence.sel $0x180000  }
0xa8: {  	[bflag:$0x0] =	sbarrier.arrive $0xFFFF  }
0xa9: {  	p0 =	sne.s32 s1, $0x0;
	_ =	strace $0x90000047  }
0xaa: {  	s0 =	sadd.s32 @!p0 $0x100000, s0;
	[bflag:$0x2] =	sbarrier.arrive $0xFFFF  }
0xab: {  	[sflag:s0] =	ssyncadd.tile.s32 @!p0 $0x1;
	_ =	shalt  }
.Lfunc_end2:
_tile_overlayer_lowered:
.L_overlay_start_2:
0xac: {  	(tag) =	ssettag $0x2  }
0xad: {  	s0 =	rddreg [dreg:$0x0];
	s2 =	stileid.u32  }
0xae: {  	s1 =	rddreg [dreg:$0x1];
	p0 =	sne.s32 s2, $0x0  }
0xaf: {  	s3 =	rddreg [dreg:$0x2];
	[bflag:$0x3] =	sbarrier.arrive $0xFFFF;
	s2 =	simm.s32 @!p0 $0x1C01  }
0xb0: {  	[timem:s3], [sflag:s2] =	dma.local @!p0 [hbm:s0], s1  }
0xb1: {  	s0 =	simm.s32 @!p0 $0x1  }
0xb2: {  	_ =	swait.ge @!p0 [sflag:s0], s1  }
0xb3: {  	s1 =	ssub.s32 @!p0 $0x0, s1;
	[sflag:s0] =	ssyncset.done @!p0 $0x0  }
0xb4: {  	[sflag:s0] =	ssyncadd.s32 @!p0 s1  }
0xb5: {  	[bflag:$0x3] =	sbarrier.arrive $0xFFFF  }
0xb6: {  	_ =	shalt  }

</sc_bundles>
